<compile_context>
chip_gen: v7x
topology: tpu7x:2x2x1
jax: 0.10.2.dev20260603
libtpu: 0.0.44.dev20260713+nightly
codegen_flags: <defaults>
</compile_context>

<pallas_src>
import functools
import math

import jax
import jax.numpy as jnp
from jax import lax
from jax.experimental import pallas as pl
from jax.experimental.pallas import tpu as pltpu
from jax.experimental.pallas import tpu_sc as plsc


_BT = 1024
_NC, _NS = 2, 16
_NW = _NC * _NS
_CH = 256


def _tc_body(x_ref, w1_ref, b1_ref, g1_ref, be1_ref, w2_ref, b2_ref, g2_ref,
             be2_ref, cb_ref, idx_ref, loss_ref):
    x = x_ref[...]
    h = jnp.dot(x, w1_ref[...], preferred_element_type=jnp.float32)
    h = h + b1_ref[...]
    mu = jnp.mean(h, axis=-1, keepdims=True)
    var = jnp.mean((h - mu) ** 2, axis=-1, keepdims=True)
    h = (h - mu) * jax.lax.rsqrt(var + 1e-5) * g1_ref[...] + be1_ref[...]
    h = 0.5 * h * (1.0 + jax.lax.erf(h * jnp.float32(math.sqrt(0.5))))
    z = jnp.dot(h, w2_ref[...], preferred_element_type=jnp.float32)
    z = z + b2_ref[...]
    mu2 = jnp.mean(z, axis=-1, keepdims=True)
    var2 = jnp.mean((z - mu2) ** 2, axis=-1, keepdims=True)
    z = (z - mu2) * jax.lax.rsqrt(var2 + 1e-5) * g2_ref[...] + be2_ref[...]

    cb = cb_ref[...]
    cb2 = jnp.sum(cb * cb, axis=1)
    z2 = jnp.sum(z * z, axis=1, keepdims=True)
    dist = (z2 + cb2[None, :]) - jnp.dot(z + z, cb.T, preferred_element_type=jnp.float32)
    k = cb.shape[0]
    iota = jax.lax.broadcasted_iota(jnp.int32, (1, k), 1).astype(jnp.float32)
    minv = jnp.min(dist, axis=1, keepdims=True)
    idx = jnp.min(jnp.where(dist == minv, iota, float(k)), axis=1).astype(jnp.int32)
    idx_ref[...] = idx

    part = jnp.sum(minv).reshape(1, 1)

    @pl.when(pl.program_id(0) == 0)
    def _init():
        loss_ref[...] = jnp.zeros_like(loss_ref)

    loss_ref[...] += part


def _tc_body_zq(x_ref, w1_ref, b1_ref, g1_ref, be1_ref, w2_ref, b2_ref, g2_ref,
                be2_ref, cb_ref, idx_ref, loss_ref, zq_ref):
    x = x_ref[...]
    h = jnp.dot(x, w1_ref[...], preferred_element_type=jnp.float32)
    h = h + b1_ref[...]
    mu = jnp.mean(h, axis=-1, keepdims=True)
    var = jnp.mean((h - mu) ** 2, axis=-1, keepdims=True)
    h = (h - mu) * jax.lax.rsqrt(var + 1e-5) * g1_ref[...] + be1_ref[...]
    h = 0.5 * h * (1.0 + jax.lax.erf(h * jnp.float32(math.sqrt(0.5))))
    z = jnp.dot(h, w2_ref[...], preferred_element_type=jnp.float32)
    z = z + b2_ref[...]
    mu2 = jnp.mean(z, axis=-1, keepdims=True)
    var2 = jnp.mean((z - mu2) ** 2, axis=-1, keepdims=True)
    z = (z - mu2) * jax.lax.rsqrt(var2 + 1e-5) * g2_ref[...] + be2_ref[...]

    cb = cb_ref[...]
    cb2 = jnp.sum(cb * cb, axis=1)
    z2 = jnp.sum(z * z, axis=1, keepdims=True)
    dist = (z2 + cb2[None, :]) - jnp.dot(z + z, cb.T, preferred_element_type=jnp.float32)
    k = cb.shape[0]
    iota = jax.lax.broadcasted_iota(jnp.int32, (1, k), 1).astype(jnp.float32)
    minv = jnp.min(dist, axis=1, keepdims=True)
    idxf = jnp.min(jnp.where(dist == minv, iota, float(k)), axis=1)
    idx = idxf.astype(jnp.int32)
    idx_ref[...] = idx

    one_hot = (jax.lax.broadcasted_iota(jnp.int32, dist.shape, 1)
               == idx[:, None]).astype(jnp.float32)
    zq_ref[...] = jnp.dot(one_hot, cb, preferred_element_type=jnp.float32)

    part = jnp.sum(minv).reshape(1, 1)

    @pl.when(pl.program_id(0) == 0)
    def _init():
        loss_ref[...] = jnp.zeros_like(loss_ref)

    loss_ref[...] += part


def _sc_gather(cb_hbm, idx_hbm, zq_hbm, idx0, idx1, rows0, rows1, sem0, sem1):
    n = zq_hbm.shape[0]
    bpw = n // _NW
    nch = bpw // _CH
    wid = lax.axis_index("s") * _NC + lax.axis_index("c")
    base = wid * bpw
    idx_v = (idx0, idx1)
    rows_v = (rows0, rows1)
    sems = (sem0, sem1)

    pltpu.sync_copy(idx_hbm.at[pl.ds(base, _CH)], idx0)
    gathers = [pltpu.async_copy(cb_hbm.at[idx0], rows0, sem0)]
    for c in range(nch):
        cur = c % 2
        nxt = (c + 1) % 2
        if c + 1 < nch:
            off = base + (c + 1) * _CH
            pltpu.sync_copy(idx_hbm.at[pl.ds(off, _CH)], idx_v[nxt])
            gathers.append(
                pltpu.async_copy(cb_hbm.at[idx_v[nxt]], rows_v[nxt], sems[nxt]))
        gathers[c].wait()
        pltpu.sync_copy(rows_v[cur], zq_hbm.at[pl.ds(base + c * _CH, _CH)])


_SPLIT_BLOCKS = (8, 56)


def kernel(embeddings, W1, b1, g1, be1, W2, b2, g2, be2, codebook):
    b, t, in_dim = embeddings.shape
    n = b * t
    lat = codebook.shape[1]
    x = embeddings.reshape(n, in_dim)

    lat_p = 128
    cb_pad = jnp.pad(codebook, ((0, 0), (0, lat_p - lat)))

    def make_sc_gather(nh):
        return pl.kernel(
            _sc_gather,
            mesh=plsc.VectorSubcoreMesh(core_axis_name="c", subcore_axis_name="s"),
            out_type=jax.ShapeDtypeStruct((nh, lat_p), jnp.float32),
            scratch_types=[
                pltpu.VMEM((_CH,), jnp.int32),
                pltpu.VMEM((_CH,), jnp.int32),
                pltpu.VMEM((_CH, lat_p), jnp.float32),
                pltpu.VMEM((_CH, lat_p), jnp.float32),
                pltpu.SemaphoreType.DMA,
                pltpu.SemaphoreType.DMA,
            ],
        )

    idx_parts = []
    zq_parts = []
    loss_parts = []
    base = 0
    for p, nbh in enumerate(_SPLIT_BLOCKS):
        nh = nbh * _BT
        tc_zq = p == len(_SPLIT_BLOCKS) - 1
        in_specs = [
            pl.BlockSpec((_BT, in_dim), lambda i, base=base: (base + i, 0)),
            pl.BlockSpec(W1.shape, lambda i: (0, 0)),
            pl.BlockSpec(b1.shape, lambda i: (0,)),
            pl.BlockSpec(g1.shape, lambda i: (0,)),
            pl.BlockSpec(be1.shape, lambda i: (0,)),
            pl.BlockSpec(W2.shape, lambda i: (0, 0)),
            pl.BlockSpec(b2.shape, lambda i: (0,)),
            pl.BlockSpec(g2.shape, lambda i: (0,)),
            pl.BlockSpec(be2.shape, lambda i: (0,)),
            pl.BlockSpec(codebook.shape, lambda i: (0, 0)),
        ]
        out_specs = [
            pl.BlockSpec((_BT,), lambda i: (i,)),
            pl.BlockSpec((1, 1), lambda i: (0, 0)),
        ]
        out_shape = [
            jax.ShapeDtypeStruct((nh,), jnp.int32),
            jax.ShapeDtypeStruct((1, 1), jnp.float32),
        ]
        if tc_zq:
            out_specs.append(pl.BlockSpec((_BT, lat), lambda i: (i, 0)))
            out_shape.append(jax.ShapeDtypeStruct((nh, lat), jnp.float32))

        outs = pl.pallas_call(
            _tc_body_zq if tc_zq else _tc_body,
            grid=(nbh,),
            in_specs=in_specs,
            out_specs=out_specs,
            out_shape=out_shape,
        )(x, W1, b1, g1, be1, W2, b2, g2, be2, codebook)

        idx_flat = outs[0]
        idx_parts.append(idx_flat)
        loss_parts.append(outs[1][0, 0])
        if tc_zq:
            zq_parts.append(outs[2])
        else:
            zq_parts.append(make_sc_gather(nh)(cb_pad, idx_flat)[:, :lat])
        base += nbh

    zq = jnp.concatenate(zq_parts, axis=0)
    idx_all = jnp.concatenate(idx_parts, axis=0)
    loss = sum(loss_parts) * (1.25 / (n * lat))
    return zq.reshape(b, t, lat), loss, idx_all.reshape(b, t)

# --- scband reference (transcript-rebuilt; emitter-appended) ---
"""Pipeline reference for scband-vqtokenizer-84353157693462 (READ-ONLY COPY).

The authoritative reference and input builder live on the scoring server;
editing this copy changes nothing except your own understanding.
"""

import jax, jax.numpy as jnp
import numpy as np


def _layer_norm(x, g, b, eps=1e-5):
    mu = jnp.mean(x, axis=-1, keepdims=True)
    var = jnp.mean((x - mu) ** 2, axis=-1, keepdims=True)
    return (x - mu) / jnp.sqrt(var + eps) * g + b


def setup_inputs(seed: int = 0) -> dict:
    key = jax.random.key(seed)
    ks = jax.random.split(key, 8)
    B, T, IN_DIM, HID, LAT, K = 64, 1024, 384, 256, 64, 1024
    embeddings = jax.random.normal(ks[0], (B, T, IN_DIM), dtype=jnp.float32)
    W1 = jax.random.normal(ks[1], (IN_DIM, HID), dtype=jnp.float32) * 0.02
    b1 = jnp.zeros((HID,), dtype=jnp.float32)
    g1 = jnp.ones((HID,), dtype=jnp.float32)
    be1 = jnp.zeros((HID,), dtype=jnp.float32)
    W2 = jax.random.normal(ks[2], (HID, LAT), dtype=jnp.float32) * 0.02
    b2 = jnp.zeros((LAT,), dtype=jnp.float32)
    g2 = jnp.ones((LAT,), dtype=jnp.float32)
    be2 = jnp.zeros((LAT,), dtype=jnp.float32)
    codebook = jax.random.uniform(ks[3], (K, LAT), dtype=jnp.float32, minval=-1.0 / K, maxval=1.0 / K)
    return {"embeddings": embeddings, "W1": W1, "b1": b1, "g1": g1, "be1": be1,
            "W2": W2, "b2": b2, "g2": g2, "be2": be2, "codebook": codebook}


def reference(embeddings, W1, b1, g1, be1, W2, b2, g2, be2, codebook):
    # ProjectionMLP: Linear -> LayerNorm -> GELU(exact) -> Linear -> LayerNorm
    h = embeddings @ W1 + b1
    h = _layer_norm(h, g1, be1)
    h = jax.nn.gelu(h, approximate=False)
    z = h @ W2 + b2
    z = _layer_norm(z, g2, be2)
    # VQVAE quantization
    D = z.shape[-1]
    z_flat = z.reshape(-1, D)
    distances = (jnp.sum(z_flat ** 2, axis=1, keepdims=True)
                 + jnp.sum(codebook ** 2, axis=1)
                 - 2.0 * (z_flat @ codebook.T))
    indices = jnp.argmin(distances, axis=1)
    z_quantized = jnp.take(codebook, indices, axis=0)
    codebook_loss = jnp.mean((z_quantized - jax.lax.stop_gradient(z_flat)) ** 2)
    commitment_loss = jnp.mean((jax.lax.stop_gradient(z_quantized) - z_flat) ** 2)
    loss = codebook_loss + 0.25 * commitment_loss
    z_q_ste = z_flat + jax.lax.stop_gradient(z_quantized - z_flat)
    z_q_ste = z_q_ste.reshape(z.shape)
    return (z_q_ste, loss, indices.reshape(z.shape[:-1]))

if __name__ == "__main__":
    import jax
    _d = setup_inputs()
    print(jax.jit(kernel)(*tuple(_d.values())))

</pallas_src>

<mosaic_0001>
#map = affine_map<(d0, d1) -> (0, 0)>
#map1 = affine_map<(d0, d1) -> (0)>
module attributes {stable_mosaic.version = 14 : i64} {
  func.func @_sc_gather(%arg0: i32, %arg1: i32, %arg2: memref<1024x128xf32, #tpu.memory_space<hbm>>, %arg3: memref<8192xi32, #tpu.memory_space<hbm>>, %arg4: memref<8192x128xf32, #tpu.memory_space<hbm>>, %arg5: memref<256xi32, #tpu.memory_space<vmem>>, %arg6: memref<256xi32, #tpu.memory_space<vmem>>, %arg7: memref<256x128xf32, #tpu.memory_space<vmem>>, %arg8: memref<256x128xf32, #tpu.memory_space<vmem>>, %arg9: memref<!tpu.dma_semaphore, #tpu.memory_space<semaphore_mem>>, %arg10: memref<!tpu.dma_semaphore, #tpu.memory_space<semaphore_mem>>) attributes {dimension_semantics = [#tpu.dimension_semantics<core_parallel>, #tpu.dimension_semantics<subcore_parallel>], iteration_bounds = array<i64: 2, 16>, scalar_prefetch = 0 : i64, scratch_operands = 6 : i64, tpu.core_type = #tpu.core_type<sc_vector_subcore>, window_params = [{transform_indices = #map}, {transform_indices = #map1}, {transform_indices = #map}]} {
    %mul3A = arith.constant 2 : i32
    %mul3A_0 = arith.muli %arg1, %mul3A : i32
    %add3A = arith.addi %mul3A_0, %arg0 : i32
    %mul3A_1 = arith.constant 256 : i32
    %mul3A_2 = arith.muli %add3A, %mul3A_1 : i32
    "tpu.region"() ({
      %run_scoped3A = tpu.sem_alloc : memref<!tpu.dma_semaphore, #tpu.memory_space<semaphore_mem>>
      %dma_start3A_9 = tpu.memref_slice %arg3[%mul3A_2] : memref<8192xi32, #tpu.memory_space<hbm>> -> memref<256xi32, #tpu.memory_space<hbm>>
      %dma_start3A_10 = tpu.memref_slice %arg3[%mul3A_2] : memref<8192xi32, #tpu.memory_space<hbm>> -> memref<256xi32, #tpu.memory_space<hbm>>
      tpu.enqueue_dma source(%dma_start3A_10 : memref<256xi32, #tpu.memory_space<hbm>>) target(%arg5 : memref<256xi32, #tpu.memory_space<vmem>>) target_semaphore(%run_scoped3A : memref<!tpu.dma_semaphore, #tpu.memory_space<semaphore_mem>>)
      %dma_wait3A_11 = tpu.memref_slice %arg3[%mul3A_2] : memref<8192xi32, #tpu.memory_space<hbm>> -> memref<256xi32, #tpu.memory_space<hbm>>
      %dma_wait3A_12 = tpu.memref_slice %arg3[%mul3A_2] : memref<8192xi32, #tpu.memory_space<hbm>> -> memref<256xi32, #tpu.memory_space<hbm>>
      tpu.wait_dma2 semaphore(%run_scoped3A : memref<!tpu.dma_semaphore, #tpu.memory_space<semaphore_mem>>) src(%dma_wait3A_12 : memref<256xi32, #tpu.memory_space<hbm>>) dst(%arg5 : memref<256xi32, #tpu.memory_space<vmem>>)
      tpu.yield
    }) : () -> ()
    %dma_start3A = arith.constant 0 : i32
    %dma_start3A_3 = arith.constant 0 : i32
    %dma_start3A_4 = tpu.memref_slice %arg2[%dma_start3A, %dma_start3A_3] : memref<1024x128xf32, #tpu.memory_space<hbm>> -> memref<1024x128xf32, #tpu.memory_space<hbm>>
    tpu.enqueue_indirect_dma source(%dma_start3A_4 : memref<1024x128xf32, #tpu.memory_space<hbm>>) target(%arg7 : memref<256x128xf32, #tpu.memory_space<vmem>>) offsets(%arg5 : memref<256xi32, #tpu.memory_space<vmem>>) semaphore(%arg9 : memref<!tpu.dma_semaphore, #tpu.memory_space<semaphore_mem>>)
    %dma_wait3A = arith.constant 0 : i32
    %dma_wait3A_5 = arith.constant 0 : i32
    %dma_wait3A_6 = tpu.memref_slice %arg2[%dma_wait3A, %dma_wait3A_5] : memref<1024x128xf32, #tpu.memory_space<hbm>> -> memref<1024x128xf32, #tpu.memory_space<hbm>>
    tpu.wait_indirect_dma semaphore(%arg9 : memref<!tpu.dma_semaphore, #tpu.memory_space<semaphore_mem>>) src(%dma_wait3A_6 : memref<1024x128xf32, #tpu.memory_space<hbm>>) dst(%arg7 : memref<256x128xf32, #tpu.memory_space<vmem>>)
    %add3A_7 = arith.constant 0 : i32
    %add3A_8 = arith.addi %mul3A_2, %add3A_7 : i32
    "tpu.region"() ({
      %run_scoped3A = tpu.sem_alloc : memref<!tpu.dma_semaphore, #tpu.memory_space<semaphore_mem>>
      %dma_start3A_9 = arith.constant 0 : i32
      %dma_start3A_10 = tpu.memref_slice %arg4[%add3A_8, %dma_start3A_9] : memref<8192x128xf32, #tpu.memory_space<hbm>> -> memref<256x128xf32, #tpu.memory_space<hbm>>
      %dma_start3A_11 = arith.constant 0 : i32
      %dma_start3A_12 = tpu.memref_slice %arg4[%add3A_8, %dma_start3A_11] : memref<8192x128xf32, #tpu.memory_space<hbm>> -> memref<256x128xf32, #tpu.memory_space<hbm>>
      tpu.enqueue_dma source(%arg7 : memref<256x128xf32, #tpu.memory_space<vmem>>) target(%dma_start3A_12 : memref<256x128xf32, #tpu.memory_space<hbm>>) target_semaphore(%run_scoped3A : memref<!tpu.dma_semaphore, #tpu.memory_space<semaphore_mem>>)
      %dma_wait3A_13 = arith.constant 0 : i32
      %dma_wait3A_14 = tpu.memref_slice %arg4[%add3A_8, %dma_wait3A_13] : memref<8192x128xf32, #tpu.memory_space<hbm>> -> memref<256x128xf32, #tpu.memory_space<hbm>>
      %dma_wait3A_15 = arith.constant 0 : i32
      %dma_wait3A_16 = tpu.memref_slice %arg4[%add3A_8, %dma_wait3A_15] : memref<8192x128xf32, #tpu.memory_space<hbm>> -> memref<256x128xf32, #tpu.memory_space<hbm>>
      tpu.wait_dma2 semaphore(%run_scoped3A : memref<!tpu.dma_semaphore, #tpu.memory_space<semaphore_mem>>) src(%arg7 : memref<256x128xf32, #tpu.memory_space<vmem>>) dst(%dma_wait3A_16 : memref<256x128xf32, #tpu.memory_space<hbm>>)
      tpu.yield
    }) : () -> ()
    return
  }
}

module attributes {stable_mosaic.version = 14 : i64} {
  func.func @_tc_body_zq(%arg0: i32, %arg1: memref<1024x384xf32, #tpu.memory_space<vmem>>, %arg2: memref<384x256xf32, #tpu.memory_space<vmem>>, %arg3: memref<256xf32, #tpu.memory_space<vmem>>, %arg4: memref<256xf32, #tpu.memory_space<vmem>>, %arg5: memref<256xf32, #tpu.memory_space<vmem>>, %arg6: memref<256x64xf32, #tpu.memory_space<vmem>>, %arg7: memref<64xf32, #tpu.memory_space<vmem>>, %arg8: memref<64xf32, #tpu.memory_space<vmem>>, %arg9: memref<64xf32, #tpu.memory_space<vmem>>, %arg10: memref<1024x64xf32, #tpu.memory_space<vmem>>, %arg11: memref<1024xi32, #tpu.memory_space<vmem>>, %arg12: memref<1x1xf32, #tpu.memory_space<vmem>>, %arg13: memref<1024x64xf32, #tpu.memory_space<vmem>>) attributes {dimension_semantics = [#tpu.dimension_semantics<arbitrary>], iteration_bounds = array<i64: 56>, scalar_prefetch = 0 : i64, scratch_operands = 0 : i64, tpu.core_type = #tpu.core_type<tc>, window_params = [{transform_indices = @transform_0, window_bounds = array<i64: 1024, 384>}, {pipeline_mode = #tpu.pipeline_mode<synchronous>, transform_indices = @transform_1, window_bounds = array<i64: 384, 256>}, {pipeline_mode = #tpu.pipeline_mode<synchronous>, transform_indices = @transform_2, window_bounds = array<i64: 256>}, {pipeline_mode = #tpu.pipeline_mode<synchronous>, transform_indices = @transform_3, window_bounds = array<i64: 256>}, {pipeline_mode = #tpu.pipeline_mode<synchronous>, transform_indices = @transform_4, window_bounds = array<i64: 256>}, {pipeline_mode = #tpu.pipeline_mode<synchronous>, transform_indices = @transform_5, window_bounds = array<i64: 256, 64>}, {pipeline_mode = #tpu.pipeline_mode<synchronous>, transform_indices = @transform_6, window_bounds = array<i64: 64>}, {pipeline_mode = #tpu.pipeline_mode<synchronous>, transform_indices = @transform_7, window_bounds = array<i64: 64>}, {pipeline_mode = #tpu.pipeline_mode<synchronous>, transform_indices = @transform_8, window_bounds = array<i64: 64>}, {pipeline_mode = #tpu.pipeline_mode<synchronous>, transform_indices = @transform_9, window_bounds = array<i64: 1024, 64>}, {transform_indices = @transform_10, window_bounds = array<i64: 1024>}, {pipeline_mode = #tpu.pipeline_mode<synchronous>, transform_indices = @transform_11, window_bounds = array<i64: 1, 1>}, {transform_indices = @transform_12, window_bounds = array<i64: 1024, 64>}]} {
    %get3A = arith.constant 0 : index
    %get3A_0 = arith.constant 0 : index
    %get3A_1 = vector.load %arg1[%get3A, %get3A_0] : memref<1024x384xf32, #tpu.memory_space<vmem>>, vector<1024x384xf32>
    %get3A_2 = arith.constant 0 : index
    %get3A_3 = arith.constant 0 : index
    %get3A_4 = vector.load %arg2[%get3A_2, %get3A_3] : memref<384x256xf32, #tpu.memory_space<vmem>>, vector<384x256xf32>
    %dot_general3A = arith.constant dense<0.000000e+00> : vector<1024x256xf32>
    %dot_general3A_5 = tpu.matmul %get3A_1, %get3A_4, %dot_general3A {dimension_numbers = #tpu.dot_dimension_numbers<[1], [0], [0], [1], [0, 0, 1, 1], [], []>, transpose_lhs_hint = false} : vector<1024x384xf32>, vector<384x256xf32>, vector<1024x256xf32> -> vector<1024x256xf32>
    %get3A_6 = arith.constant 0 : index
    %get3A_7 = vector.load %arg3[%get3A_6] : memref<256xf32, #tpu.memory_space<vmem>>, vector<256xf32>
    %broadcast_in_dim3A = vector.shape_cast %get3A_7 : vector<256xf32> to vector<1x256xf32>
    %add3A = vector.broadcast %broadcast_in_dim3A : vector<1x256xf32> to vector<1024x256xf32>
    %add3A_8 = arith.addf %dot_general3A_5, %add3A : vector<1024x256xf32>
    %reduce_sum3A = arith.constant dense<0.000000e+00> : vector<1024xf32>
    %reduce_sum3A_9 = vector.multi_reduction <add>, %add3A_8, %reduce_sum3A [1] : vector<1024x256xf32> to vector<1024xf32>
    %broadcast_in_dim3A_10 = vector.shape_cast %reduce_sum3A_9 : vector<1024xf32> to vector<1024x1xf32>
    %div3A = arith.constant 2.560000e+02 : f32
    %div3A_11 = vector.broadcast %div3A : f32 to vector<1024x1xf32>
    %div3A_12 = arith.divf %broadcast_in_dim3A_10, %div3A_11 : vector<1024x1xf32>
    %sub3A = vector.broadcast %div3A_12 : vector<1024x1xf32> to vector<1024x256xf32>
    %sub3A_13 = arith.subf %add3A_8, %sub3A : vector<1024x256xf32>
    %integer_pow3A = arith.mulf %sub3A_13, %sub3A_13 : vector<1024x256xf32>
    %reduce_sum3A_14 = arith.constant dense<0.000000e+00> : vector<1024xf32>
    %reduce_sum3A_15 = vector.multi_reduction <add>, %integer_pow3A, %reduce_sum3A_14 [1] : vector<1024x256xf32> to vector<1024xf32>
    %broadcast_in_dim3A_16 = vector.shape_cast %reduce_sum3A_15 : vector<1024xf32> to vector<1024x1xf32>
    %div3A_17 = arith.constant 2.560000e+02 : f32
    %div3A_18 = vector.broadcast %div3A_17 : f32 to vector<1024x1xf32>
    %div3A_19 = arith.divf %broadcast_in_dim3A_16, %div3A_18 : vector<1024x1xf32>
    %sub3A_20 = vector.broadcast %div3A_12 : vector<1024x1xf32> to vector<1024x256xf32>
    %sub3A_21 = arith.subf %add3A_8, %sub3A_20 : vector<1024x256xf32>
    %add3A_22 = arith.constant 9.99999974E-6 : f32
    %add3A_23 = vector.broadcast %add3A_22 : f32 to vector<1024x1xf32>
    %add3A_24 = arith.addf %div3A_19, %add3A_23 : vector<1024x1xf32>
    %rsqrt3A = math.rsqrt %add3A_24 : vector<1024x1xf32>
    %mul3A = vector.broadcast %rsqrt3A : vector<1024x1xf32> to vector<1024x256xf32>
    %mul3A_25 = arith.mulf %sub3A_21, %mul3A : vector<1024x256xf32>
    %get3A_26 = arith.constant 0 : index
    %get3A_27 = vector.load %arg4[%get3A_26] : memref<256xf32, #tpu.memory_space<vmem>>, vector<256xf32>
    %broadcast_in_dim3A_28 = vector.shape_cast %get3A_27 : vector<256xf32> to vector<1x256xf32>
    %mul3A_29 = vector.broadcast %broadcast_in_dim3A_28 : vector<1x256xf32> to vector<1024x256xf32>
    %mul3A_30 = arith.mulf %mul3A_25, %mul3A_29 : vector<1024x256xf32>
    %get3A_31 = arith.constant 0 : index
    %get3A_32 = vector.load %arg5[%get3A_31] : memref<256xf32, #tpu.memory_space<vmem>>, vector<256xf32>
    %broadcast_in_dim3A_33 = vector.shape_cast %get3A_32 : vector<256xf32> to vector<1x256xf32>
    %add3A_34 = vector.broadcast %broadcast_in_dim3A_33 : vector<1x256xf32> to vector<1024x256xf32>
    %add3A_35 = arith.addf %mul3A_30, %add3A_34 : vector<1024x256xf32>
    %mul3A_36 = arith.constant 5.000000e-01 : f32
    %mul3A_37 = vector.broadcast %mul3A_36 : f32 to vector<1024x256xf32>
    %mul3A_38 = arith.mulf %mul3A_37, %add3A_35 : vector<1024x256xf32>
    %mul3A_39 = arith.constant 0.707106769 : f32
    %mul3A_40 = vector.broadcast %mul3A_39 : f32 to vector<1024x256xf32>
    %mul3A_41 = arith.mulf %add3A_35, %mul3A_40 : vector<1024x256xf32>
    %erf3A = math.erf %mul3A_41 : vector<1024x256xf32>
    %add3A_42 = arith.constant 1.000000e+00 : f32
    %add3A_43 = vector.broadcast %add3A_42 : f32 to vector<1024x256xf32>
    %add3A_44 = arith.addf %add3A_43, %erf3A : vector<1024x256xf32>
    %mul3A_45 = arith.mulf %mul3A_38, %add3A_44 : vector<1024x256xf32>
    %get3A_46 = arith.constant 0 : index
    %get3A_47 = arith.constant 0 : index
    %get3A_48 = vector.load %arg6[%get3A_46, %get3A_47] : memref<256x64xf32, #tpu.memory_space<vmem>>, vector<256x64xf32>
    %dot_general3A_49 = arith.constant dense<0.000000e+00> : vector<1024x64xf32>
    %dot_general3A_50 = tpu.matmul %mul3A_45, %get3A_48, %dot_general3A_49 {dimension_numbers = #tpu.dot_dimension_numbers<[1], [0], [0], [1], [0, 0, 1, 1], [], []>, transpose_lhs_hint = false} : vector<1024x256xf32>, vector<256x64xf32>, vector<1024x64xf32> -> vector<1024x64xf32>
    %get3A_51 = arith.constant 0 : index
    %get3A_52 = vector.load %arg7[%get3A_51] : memref<64xf32, #tpu.memory_space<vmem>>, vector<64xf32>
    %broadcast_in_dim3A_53 = vector.shape_cast %get3A_52 : vector<64xf32> to vector<1x64xf32>
    %add3A_54 = vector.broadcast %broadcast_in_dim3A_53 : vector<1x64xf32> to vector<1024x64xf32>
    %add3A_55 = arith.addf %dot_general3A_50, %add3A_54 : vector<1024x64xf32>
    %reduce_sum3A_56 = arith.constant dense<0.000000e+00> : vector<1024xf32>
    %reduce_sum3A_57 = vector.multi_reduction <add>, %add3A_55, %reduce_sum3A_56 [1] : vector<1024x64xf32> to vector<1024xf32>
    %broadcast_in_dim3A_58 = vector.shape_cast %reduce_sum3A_57 : vector<1024xf32> to vector<1024x1xf32>
    %div3A_59 = arith.constant 6.400000e+01 : f32
    %div3A_60 = vector.broadcast %div3A_59 : f32 to vector<1024x1xf32>
    %div3A_61 = arith.divf %broadcast_in_dim3A_58, %div3A_60 : vector<1024x1xf32>
    %sub3A_62 = vector.broadcast %div3A_61 : vector<1024x1xf32> to vector<1024x64xf32>
    %sub3A_63 = arith.subf %add3A_55, %sub3A_62 : vector<1024x64xf32>
    %integer_pow3A_64 = arith.mulf %sub3A_63, %sub3A_63 : vector<1024x64xf32>
    %reduce_sum3A_65 = arith.constant dense<0.000000e+00> : vector<1024xf32>
    %reduce_sum3A_66 = vector.multi_reduction <add>, %integer_pow3A_64, %reduce_sum3A_65 [1] : vector<1024x64xf32> to vector<1024xf32>
    %broadcast_in_dim3A_67 = vector.shape_cast %reduce_sum3A_66 : vector<1024xf32> to vector<1024x1xf32>
    %div3A_68 = arith.constant 6.400000e+01 : f32
    %div3A_69 = vector.broadcast %div3A_68 : f32 to vector<1024x1xf32>
    %div3A_70 = arith.divf %broadcast_in_dim3A_67, %div3A_69 : vector<1024x1xf32>
    %sub3A_71 = vector.broadcast %div3A_61 : vector<1024x1xf32> to vector<1024x64xf32>
    %sub3A_72 = arith.subf %add3A_55, %sub3A_71 : vector<1024x64xf32>
    %add3A_73 = arith.constant 9.99999974E-6 : f32
    %add3A_74 = vector.broadcast %add3A_73 : f32 to vector<1024x1xf32>
    %add3A_75 = arith.addf %div3A_70, %add3A_74 : vector<1024x1xf32>
    %rsqrt3A_76 = math.rsqrt %add3A_75 : vector<1024x1xf32>
    %mul3A_77 = vector.broadcast %rsqrt3A_76 : vector<1024x1xf32> to vector<1024x64xf32>
    %mul3A_78 = arith.mulf %sub3A_72, %mul3A_77 : vector<1024x64xf32>
    %get3A_79 = arith.constant 0 : index
    %get3A_80 = vector.load %arg8[%get3A_79] : memref<64xf32, #tpu.memory_space<vmem>>, vector<64xf32>
    %broadcast_in_dim3A_81 = vector.shape_cast %get3A_80 : vector<64xf32> to vector<1x64xf32>
    %mul3A_82 = vector.broadcast %broadcast_in_dim3A_81 : vector<1x64xf32> to vector<1024x64xf32>
    %mul3A_83 = arith.mulf %mul3A_78, %mul3A_82 : vector<1024x64xf32>
    %get3A_84 = arith.constant 0 : index
    %get3A_85 = vector.load %arg9[%get3A_84] : memref<64xf32, #tpu.memory_space<vmem>>, vector<64xf32>
    %broadcast_in_dim3A_86 = vector.shape_cast %get3A_85 : vector<64xf32> to vector<1x64xf32>
    %add3A_87 = vector.broadcast %broadcast_in_dim3A_86 : vector<1x64xf32> to vector<1024x64xf32>
    %add3A_88 = arith.addf %mul3A_83, %add3A_87 : vector<1024x64xf32>
    %get3A_89 = arith.constant 0 : index
    %get3A_90 = arith.constant 0 : index
    %get3A_91 = vector.load %arg10[%get3A_89, %get3A_90] : memref<1024x64xf32, #tpu.memory_space<vmem>>, vector<1024x64xf32>
    %mul3A_92 = arith.mulf %get3A_91, %get3A_91 : vector<1024x64xf32>
    %reduce_sum3A_93 = arith.constant dense<0.000000e+00> : vector<1024xf32>
    %reduce_sum3A_94 = vector.multi_reduction <add>, %mul3A_92, %reduce_sum3A_93 [1] : vector<1024x64xf32> to vector<1024xf32>
    %mul3A_95 = arith.mulf %add3A_88, %add3A_88 : vector<1024x64xf32>
    %reduce_sum3A_96 = arith.constant dense<0.000000e+00> : vector<1024xf32>
    %reduce_sum3A_97 = vector.multi_reduction <add>, %mul3A_95, %reduce_sum3A_96 [1] : vector<1024x64xf32> to vector<1024xf32>
    %broadcast_in_dim3A_98 = vector.shape_cast %reduce_sum3A_97 : vector<1024xf32> to vector<1024x1xf32>
    %broadcast_in_dim3A_99 = vector.shape_cast %reduce_sum3A_94 : vector<1024xf32> to vector<1x1024xf32>
    %add3A_100 = vector.broadcast %broadcast_in_dim3A_98 : vector<1024x1xf32> to vector<1024x1024xf32>
    %add3A_101 = vector.broadcast %broadcast_in_dim3A_99 : vector<1x1024xf32> to vector<1024x1024xf32>
    %add3A_102 = arith.addf %add3A_100, %add3A_101 : vector<1024x1024xf32>
    %add3A_103 = arith.addf %add3A_88, %add3A_88 : vector<1024x64xf32>
    %transpose3A = tpu.transpose %get3A_91, [1, 0] : vector<1024x64xf32> -> vector<64x1024xf32>
    %dot_general3A_104 = arith.constant dense<0.000000e+00> : vector<1024x1024xf32>
    %dot_general3A_105 = tpu.matmul %add3A_103, %transpose3A, %dot_general3A_104 {dimension_numbers = #tpu.dot_dimension_numbers<[1], [0], [0], [1], [0, 0, 1, 1], [], []>, transpose_lhs_hint = false} : vector<1024x64xf32>, vector<64x1024xf32>, vector<1024x1024xf32> -> vector<1024x1024xf32>
    %sub3A_106 = arith.subf %add3A_102, %dot_general3A_105 : vector<1024x1024xf32>
    %iota3A = tpu.iota {dimensions = array<i32: 1>} : vector<1x1024xi32>
    %convert_element_type3A = arith.sitofp %iota3A : vector<1x1024xi32> to vector<1x1024xf32>
    %reduce_min3A = arith.constant dense<0x7F800000> : vector<1024xf32>
    %reduce_min3A_107 = vector.multi_reduction <minimumf>, %sub3A_106, %reduce_min3A [1] : vector<1024x1024xf32> to vector<1024xf32>
    %broadcast_in_dim3A_108 = vector.shape_cast %reduce_min3A_107 : vector<1024xf32> to vector<1024x1xf32>
    %eq3A = vector.broadcast %broadcast_in_dim3A_108 : vector<1024x1xf32> to vector<1024x1024xf32>
    %eq3A_109 = arith.cmpf oeq, %sub3A_106, %eq3A : vector<1024x1024xf32>
    %jit3A = arith.constant 1.024000e+03 : f32
    %broadcast_in_dim3A_110 = vector.shape_cast %convert_element_type3A : vector<1x1024xf32> to vector<1x1024xf32>
    %broadcast_in_dim3A_111 = vector.broadcast %broadcast_in_dim3A_110 : vector<1x1024xf32> to vector<1024x1024xf32>
    %broadcast_in_dim3A_112 = vector.broadcast %jit3A : f32 to vector<1024x1024xf32>
    %select_n3A = arith.select %eq3A_109, %broadcast_in_dim3A_111, %broadcast_in_dim3A_112 : vector<1024x1024xi1>, vector<1024x1024xf32>
    %reduce_min3A_113 = arith.constant dense<0x7F800000> : vector<1024xf32>
    %reduce_min3A_114 = vector.multi_reduction <minimumf>, %select_n3A, %reduce_min3A_113 [1] : vector<1024x1024xf32> to vector<1024xf32>
    %convert_element_type3A_115 = arith.fptosi %reduce_min3A_114 : vector<1024xf32> to vector<1024xi32>
    %swap3A = arith.constant 0 : index
    %swap3A_116 = vector.load %arg11[%swap3A] : memref<1024xi32, #tpu.memory_space<vmem>>, vector<1024xi32>
    tpu.vector_store %arg11[%swap3A], %convert_element_type3A_115 {strides = array<i32>} : memref<1024xi32, #tpu.memory_space<vmem>>, vector<1024xi32>,
    %iota3A_117 = tpu.iota {dimensions = array<i32: 1>} : vector<1024x1024xi32>
    %broadcast_in_dim3A_118 = vector.shape_cast %convert_element_type3A_115 : vector<1024xi32> to vector<1024x1xi32>
    %eq3A_119 = vector.broadcast %broadcast_in_dim3A_118 : vector<1024x1xi32> to vector<1024x1024xi32>
    %eq3A_120 = arith.cmpi eq, %iota3A_117, %eq3A_119 : vector<1024x1024xi32>
    %convert_element_type3A_121 = arith.extui %eq3A_120 : vector<1024x1024xi1> to vector<1024x1024xi32>
    %convert_element_type3A_122 = arith.sitofp %convert_element_type3A_121 : vector<1024x1024xi32> to vector<1024x1024xf32>
    %dot_general3A_123 = arith.constant dense<0.000000e+00> : vector<1024x64xf32>
    %dot_general3A_124 = tpu.matmul %convert_element_type3A_122, %get3A_91, %dot_general3A_123 {dimension_numbers = #tpu.dot_dimension_numbers<[1], [0], [0], [1], [0, 0, 1, 1], [], []>, transpose_lhs_hint = false} : vector<1024x1024xf32>, vector<1024x64xf32>, vector<1024x64xf32> -> vector<1024x64xf32>
    %swap3A_125 = arith.constant 0 : index
    %swap3A_126 = arith.constant 0 : index
    %swap3A_127 = vector.load %arg13[%swap3A_125, %swap3A_126] : memref<1024x64xf32, #tpu.memory_space<vmem>>, vector<1024x64xf32>
    tpu.vector_store %arg13[%swap3A_125, %swap3A_126], %dot_general3A_124 {strides = array<i32>} : memref<1024x64xf32, #tpu.memory_space<vmem>>, vector<1024x64xf32>,
    %reduce_sum3A_128 = vector.shape_cast %broadcast_in_dim3A_108 : vector<1024x1xf32> to vector<1x1024x1xf32>
    %reduce_sum3A_129 = arith.constant dense<0.000000e+00> : vector<1xf32>
    %reduce_sum3A_130 = vector.multi_reduction <add>, %reduce_sum3A_128, %reduce_sum3A_129 [1, 2] : vector<1x1024x1xf32> to vector<1xf32>
    %reduce_sum3A_131 = vector.shape_cast %reduce_sum3A_130 : vector<1xf32> to vector<1x1x1xf32>
    %reduce_sum3A_132 = vector.extract %reduce_sum3A_131[0, 0, 0] : f32 from vector<1x1x1xf32>
    %reshape3A = vector.broadcast %reduce_sum3A_132 : f32 to vector<1x1xf32>
    %eq3A_133 = arith.constant 0 : i32
    %eq3A_134 = arith.cmpi eq, %arg0, %eq3A_133 : i32
    %convert_element_type3A_135 = arith.extui %eq3A_134 : i1 to i32
    %cond3A = arith.constant 0 : i32
    %cond3A_136 = arith.cmpi ne, %convert_element_type3A_135, %cond3A : i32
    scf.if %cond3A_136 {
      %broadcast_in_dim3A_144 = arith.constant 0.000000e+00 : f32
      %broadcast_in_dim3A_145 = vector.broadcast %broadcast_in_dim3A_144 : f32 to vector<1x1xf32>
      %swap3A_146 = arith.constant 0 : index
      %swap3A_147 = arith.constant 0 : index
      %swap3A_148 = vector.load %arg12[%swap3A_146, %swap3A_147] : memref<1x1xf32, #tpu.memory_space<vmem>>, vector<1x1xf32>
      tpu.vector_store %arg12[%swap3A_146, %swap3A_147], %broadcast_in_dim3A_145 {strides = array<i32>} : memref<1x1xf32, #tpu.memory_space<vmem>>, vector<1x1xf32>,
    } else {
    }
    %get3A_137 = arith.constant 0 : index
    %get3A_138 = arith.constant 0 : index
    %get3A_139 = vector.load %arg12[%get3A_137, %get3A_138] : memref<1x1xf32, #tpu.memory_space<vmem>>, vector<1x1xf32>
    %add3A_140 = arith.addf %get3A_139, %reshape3A : vector<1x1xf32>
    %swap3A_141 = arith.constant 0 : index
    %swap3A_142 = arith.constant 0 : index
    %swap3A_143 = vector.load %arg12[%swap3A_141, %swap3A_142] : memref<1x1xf32, #tpu.memory_space<vmem>>, vector<1x1xf32>
    tpu.vector_store %arg12[%swap3A_141, %swap3A_142], %add3A_140 {strides = array<i32>} : memref<1x1xf32, #tpu.memory_space<vmem>>, vector<1x1xf32>,
    return
  }
  func.func @transform_0(%arg0: i32) -> (i32, i32) {
    %add3A = arith.constant 8 : i32
    %add3A_0 = arith.addi %add3A, %arg0 : i32
    %c0_i32 = arith.constant 0 : i32
    %c0_i32_1 = arith.constant 0 : i32
    return %add3A_0, %c0_i32 : i32, i32
  }
  func.func @transform_1(%arg0: i32) -> (i32, i32) {
    %c0_i32 = arith.constant 0 : i32
    %c0_i32_0 = arith.constant 0 : i32
    %c0_i32_1 = arith.constant 0 : i32
    return %c0_i32, %c0_i32_0 : i32, i32
  }
  func.func @transform_2(%arg0: i32) -> i32 {
    %c0_i32 = arith.constant 0 : i32
    %c0_i32_0 = arith.constant 0 : i32
    return %c0_i32 : i32
  }
  func.func @transform_3(%arg0: i32) -> i32 {
    %c0_i32 = arith.constant 0 : i32
    %c0_i32_0 = arith.constant 0 : i32
    return %c0_i32 : i32
  }
  func.func @transform_4(%arg0: i32) -> i32 {
    %c0_i32 = arith.constant 0 : i32
    %c0_i32_0 = arith.constant 0 : i32
    return %c0_i32 : i32
  }
  func.func @transform_5(%arg0: i32) -> (i32, i32) {
    %c0_i32 = arith.constant 0 : i32
    %c0_i32_0 = arith.constant 0 : i32
    %c0_i32_1 = arith.constant 0 : i32
    return %c0_i32, %c0_i32_0 : i32, i32
  }
  func.func @transform_6(%arg0: i32) -> i32 {
    %c0_i32 = arith.constant 0 : i32
    %c0_i32_0 = arith.constant 0 : i32
    return %c0_i32 : i32
  }
  func.func @transform_7(%arg0: i32) -> i32 {
    %c0_i32 = arith.constant 0 : i32
    %c0_i32_0 = arith.constant 0 : i32
    return %c0_i32 : i32
  }
  func.func @transform_8(%arg0: i32) -> i32 {
    %c0_i32 = arith.constant 0 : i32
    %c0_i32_0 = arith.constant 0 : i32
    return %c0_i32 : i32
  }
  func.func @transform_9(%arg0: i32) -> (i32, i32) {
    %c0_i32 = arith.constant 0 : i32
    %c0_i32_0 = arith.constant 0 : i32
    %c0_i32_1 = arith.constant 0 : i32
    return %c0_i32, %c0_i32_0 : i32, i32
  }
  func.func @transform_10(%arg0: i32) -> i32 {
    %c0_i32 = arith.constant 0 : i32
    return %arg0 : i32
  }
  func.func @transform_11(%arg0: i32) -> (i32, i32) {
    %c0_i32 = arith.constant 0 : i32
    %c0_i32_0 = arith.constant 0 : i32
    %c0_i32_1 = arith.constant 0 : i32
    return %c0_i32, %c0_i32_0 : i32, i32
  }
  func.func @transform_12(%arg0: i32) -> (i32, i32) {
    %c0_i32 = arith.constant 0 : i32
    %c0_i32_0 = arith.constant 0 : i32
    return %arg0, %c0_i32 : i32, i32
  }
}

module attributes {stable_mosaic.version = 14 : i64} {
  func.func @_tc_body(%arg0: i32, %arg1: memref<1024x384xf32, #tpu.memory_space<vmem>>, %arg2: memref<384x256xf32, #tpu.memory_space<vmem>>, %arg3: memref<256xf32, #tpu.memory_space<vmem>>, %arg4: memref<256xf32, #tpu.memory_space<vmem>>, %arg5: memref<256xf32, #tpu.memory_space<vmem>>, %arg6: memref<256x64xf32, #tpu.memory_space<vmem>>, %arg7: memref<64xf32, #tpu.memory_space<vmem>>, %arg8: memref<64xf32, #tpu.memory_space<vmem>>, %arg9: memref<64xf32, #tpu.memory_space<vmem>>, %arg10: memref<1024x64xf32, #tpu.memory_space<vmem>>, %arg11: memref<1024xi32, #tpu.memory_space<vmem>>, %arg12: memref<1x1xf32, #tpu.memory_space<vmem>>) attributes {dimension_semantics = [#tpu.dimension_semantics<arbitrary>], iteration_bounds = array<i64: 8>, scalar_prefetch = 0 : i64, scratch_operands = 0 : i64, tpu.core_type = #tpu.core_type<tc>, window_params = [{transform_indices = @transform_0, window_bounds = array<i64: 1024, 384>}, {pipeline_mode = #tpu.pipeline_mode<synchronous>, transform_indices = @transform_1, window_bounds = array<i64: 384, 256>}, {pipeline_mode = #tpu.pipeline_mode<synchronous>, transform_indices = @transform_2, window_bounds = array<i64: 256>}, {pipeline_mode = #tpu.pipeline_mode<synchronous>, transform_indices = @transform_3, window_bounds = array<i64: 256>}, {pipeline_mode = #tpu.pipeline_mode<synchronous>, transform_indices = @transform_4, window_bounds = array<i64: 256>}, {pipeline_mode = #tpu.pipeline_mode<synchronous>, transform_indices = @transform_5, window_bounds = array<i64: 256, 64>}, {pipeline_mode = #tpu.pipeline_mode<synchronous>, transform_indices = @transform_6, window_bounds = array<i64: 64>}, {pipeline_mode = #tpu.pipeline_mode<synchronous>, transform_indices = @transform_7, window_bounds = array<i64: 64>}, {pipeline_mode = #tpu.pipeline_mode<synchronous>, transform_indices = @transform_8, window_bounds = array<i64: 64>}, {pipeline_mode = #tpu.pipeline_mode<synchronous>, transform_indices = @transform_9, window_bounds = array<i64: 1024, 64>}, {transform_indices = @transform_10, window_bounds = array<i64: 1024>}, {pipeline_mode = #tpu.pipeline_mode<synchronous>, transform_indices = @transform_11, window_bounds = array<i64: 1, 1>}]} {
    %get3A = arith.constant 0 : index
    %get3A_0 = arith.constant 0 : index
    %get3A_1 = vector.load %arg1[%get3A, %get3A_0] : memref<1024x384xf32, #tpu.memory_space<vmem>>, vector<1024x384xf32>
    %get3A_2 = arith.constant 0 : index
    %get3A_3 = arith.constant 0 : index
    %get3A_4 = vector.load %arg2[%get3A_2, %get3A_3] : memref<384x256xf32, #tpu.memory_space<vmem>>, vector<384x256xf32>
    %dot_general3A = arith.constant dense<0.000000e+00> : vector<1024x256xf32>
    %dot_general3A_5 = tpu.matmul %get3A_1, %get3A_4, %dot_general3A {dimension_numbers = #tpu.dot_dimension_numbers<[1], [0], [0], [1], [0, 0, 1, 1], [], []>, transpose_lhs_hint = false} : vector<1024x384xf32>, vector<384x256xf32>, vector<1024x256xf32> -> vector<1024x256xf32>
    %get3A_6 = arith.constant 0 : index
    %get3A_7 = vector.load %arg3[%get3A_6] : memref<256xf32, #tpu.memory_space<vmem>>, vector<256xf32>
    %broadcast_in_dim3A = vector.shape_cast %get3A_7 : vector<256xf32> to vector<1x256xf32>
    %add3A = vector.broadcast %broadcast_in_dim3A : vector<1x256xf32> to vector<1024x256xf32>
    %add3A_8 = arith.addf %dot_general3A_5, %add3A : vector<1024x256xf32>
    %reduce_sum3A = arith.constant dense<0.000000e+00> : vector<1024xf32>
    %reduce_sum3A_9 = vector.multi_reduction <add>, %add3A_8, %reduce_sum3A [1] : vector<1024x256xf32> to vector<1024xf32>
    %broadcast_in_dim3A_10 = vector.shape_cast %reduce_sum3A_9 : vector<1024xf32> to vector<1024x1xf32>
    %div3A = arith.constant 2.560000e+02 : f32
    %div3A_11 = vector.broadcast %div3A : f32 to vector<1024x1xf32>
    %div3A_12 = arith.divf %broadcast_in_dim3A_10, %div3A_11 : vector<1024x1xf32>
    %sub3A = vector.broadcast %div3A_12 : vector<1024x1xf32> to vector<1024x256xf32>
    %sub3A_13 = arith.subf %add3A_8, %sub3A : vector<1024x256xf32>
    %integer_pow3A = arith.mulf %sub3A_13, %sub3A_13 : vector<1024x256xf32>
    %reduce_sum3A_14 = arith.constant dense<0.000000e+00> : vector<1024xf32>
    %reduce_sum3A_15 = vector.multi_reduction <add>, %integer_pow3A, %reduce_sum3A_14 [1] : vector<1024x256xf32> to vector<1024xf32>
    %broadcast_in_dim3A_16 = vector.shape_cast %reduce_sum3A_15 : vector<1024xf32> to vector<1024x1xf32>
    %div3A_17 = arith.constant 2.560000e+02 : f32
    %div3A_18 = vector.broadcast %div3A_17 : f32 to vector<1024x1xf32>
    %div3A_19 = arith.divf %broadcast_in_dim3A_16, %div3A_18 : vector<1024x1xf32>
    %sub3A_20 = vector.broadcast %div3A_12 : vector<1024x1xf32> to vector<1024x256xf32>
    %sub3A_21 = arith.subf %add3A_8, %sub3A_20 : vector<1024x256xf32>
    %add3A_22 = arith.constant 9.99999974E-6 : f32
    %add3A_23 = vector.broadcast %add3A_22 : f32 to vector<1024x1xf32>
    %add3A_24 = arith.addf %div3A_19, %add3A_23 : vector<1024x1xf32>
    %rsqrt3A = math.rsqrt %add3A_24 : vector<1024x1xf32>
    %mul3A = vector.broadcast %rsqrt3A : vector<1024x1xf32> to vector<1024x256xf32>
    %mul3A_25 = arith.mulf %sub3A_21, %mul3A : vector<1024x256xf32>
    %get3A_26 = arith.constant 0 : index
    %get3A_27 = vector.load %arg4[%get3A_26] : memref<256xf32, #tpu.memory_space<vmem>>, vector<256xf32>
    %broadcast_in_dim3A_28 = vector.shape_cast %get3A_27 : vector<256xf32> to vector<1x256xf32>
    %mul3A_29 = vector.broadcast %broadcast_in_dim3A_28 : vector<1x256xf32> to vector<1024x256xf32>
    %mul3A_30 = arith.mulf %mul3A_25, %mul3A_29 : vector<1024x256xf32>
    %get3A_31 = arith.constant 0 : index
    %get3A_32 = vector.load %arg5[%get3A_31] : memref<256xf32, #tpu.memory_space<vmem>>, vector<256xf32>
    %broadcast_in_dim3A_33 = vector.shape_cast %get3A_32 : vector<256xf32> to vector<1x256xf32>
    %add3A_34 = vector.broadcast %broadcast_in_dim3A_33 : vector<1x256xf32> to vector<1024x256xf32>
    %add3A_35 = arith.addf %mul3A_30, %add3A_34 : vector<1024x256xf32>
    %mul3A_36 = arith.constant 5.000000e-01 : f32
    %mul3A_37 = vector.broadcast %mul3A_36 : f32 to vector<1024x256xf32>
    %mul3A_38 = arith.mulf %mul3A_37, %add3A_35 : vector<1024x256xf32>
    %mul3A_39 = arith.constant 0.707106769 : f32
    %mul3A_40 = vector.broadcast %mul3A_39 : f32 to vector<1024x256xf32>
    %mul3A_41 = arith.mulf %add3A_35, %mul3A_40 : vector<1024x256xf32>
    %erf3A = math.erf %mul3A_41 : vector<1024x256xf32>
    %add3A_42 = arith.constant 1.000000e+00 : f32
    %add3A_43 = vector.broadcast %add3A_42 : f32 to vector<1024x256xf32>
    %add3A_44 = arith.addf %add3A_43, %erf3A : vector<1024x256xf32>
    %mul3A_45 = arith.mulf %mul3A_38, %add3A_44 : vector<1024x256xf32>
    %get3A_46 = arith.constant 0 : index
    %get3A_47 = arith.constant 0 : index
    %get3A_48 = vector.load %arg6[%get3A_46, %get3A_47] : memref<256x64xf32, #tpu.memory_space<vmem>>, vector<256x64xf32>
    %dot_general3A_49 = arith.constant dense<0.000000e+00> : vector<1024x64xf32>
    %dot_general3A_50 = tpu.matmul %mul3A_45, %get3A_48, %dot_general3A_49 {dimension_numbers = #tpu.dot_dimension_numbers<[1], [0], [0], [1], [0, 0, 1, 1], [], []>, transpose_lhs_hint = false} : vector<1024x256xf32>, vector<256x64xf32>, vector<1024x64xf32> -> vector<1024x64xf32>
    %get3A_51 = arith.constant 0 : index
    %get3A_52 = vector.load %arg7[%get3A_51] : memref<64xf32, #tpu.memory_space<vmem>>, vector<64xf32>
    %broadcast_in_dim3A_53 = vector.shape_cast %get3A_52 : vector<64xf32> to vector<1x64xf32>
    %add3A_54 = vector.broadcast %broadcast_in_dim3A_53 : vector<1x64xf32> to vector<1024x64xf32>
    %add3A_55 = arith.addf %dot_general3A_50, %add3A_54 : vector<1024x64xf32>
    %reduce_sum3A_56 = arith.constant dense<0.000000e+00> : vector<1024xf32>
    %reduce_sum3A_57 = vector.multi_reduction <add>, %add3A_55, %reduce_sum3A_56 [1] : vector<1024x64xf32> to vector<1024xf32>
    %broadcast_in_dim3A_58 = vector.shape_cast %reduce_sum3A_57 : vector<1024xf32> to vector<1024x1xf32>
    %div3A_59 = arith.constant 6.400000e+01 : f32
    %div3A_60 = vector.broadcast %div3A_59 : f32 to vector<1024x1xf32>
    %div3A_61 = arith.divf %broadcast_in_dim3A_58, %div3A_60 : vector<1024x1xf32>
    %sub3A_62 = vector.broadcast %div3A_61 : vector<1024x1xf32> to vector<1024x64xf32>
    %sub3A_63 = arith.subf %add3A_55, %sub3A_62 : vector<1024x64xf32>
    %integer_pow3A_64 = arith.mulf %sub3A_63, %sub3A_63 : vector<1024x64xf32>
    %reduce_sum3A_65 = arith.constant dense<0.000000e+00> : vector<1024xf32>
    %reduce_sum3A_66 = vector.multi_reduction <add>, %integer_pow3A_64, %reduce_sum3A_65 [1] : vector<1024x64xf32> to vector<1024xf32>
    %broadcast_in_dim3A_67 = vector.shape_cast %reduce_sum3A_66 : vector<1024xf32> to vector<1024x1xf32>
    %div3A_68 = arith.constant 6.400000e+01 : f32
    %div3A_69 = vector.broadcast %div3A_68 : f32 to vector<1024x1xf32>
    %div3A_70 = arith.divf %broadcast_in_dim3A_67, %div3A_69 : vector<1024x1xf32>
    %sub3A_71 = vector.broadcast %div3A_61 : vector<1024x1xf32> to vector<1024x64xf32>
    %sub3A_72 = arith.subf %add3A_55, %sub3A_71 : vector<1024x64xf32>
    %add3A_73 = arith.constant 9.99999974E-6 : f32
    %add3A_74 = vector.broadcast %add3A_73 : f32 to vector<1024x1xf32>
    %add3A_75 = arith.addf %div3A_70, %add3A_74 : vector<1024x1xf32>
    %rsqrt3A_76 = math.rsqrt %add3A_75 : vector<1024x1xf32>
    %mul3A_77 = vector.broadcast %rsqrt3A_76 : vector<1024x1xf32> to vector<1024x64xf32>
    %mul3A_78 = arith.mulf %sub3A_72, %mul3A_77 : vector<1024x64xf32>
    %get3A_79 = arith.constant 0 : index
    %get3A_80 = vector.load %arg8[%get3A_79] : memref<64xf32, #tpu.memory_space<vmem>>, vector<64xf32>
    %broadcast_in_dim3A_81 = vector.shape_cast %get3A_80 : vector<64xf32> to vector<1x64xf32>
    %mul3A_82 = vector.broadcast %broadcast_in_dim3A_81 : vector<1x64xf32> to vector<1024x64xf32>
    %mul3A_83 = arith.mulf %mul3A_78, %mul3A_82 : vector<1024x64xf32>
    %get3A_84 = arith.constant 0 : index
    %get3A_85 = vector.load %arg9[%get3A_84] : memref<64xf32, #tpu.memory_space<vmem>>, vector<64xf32>
    %broadcast_in_dim3A_86 = vector.shape_cast %get3A_85 : vector<64xf32> to vector<1x64xf32>
    %add3A_87 = vector.broadcast %broadcast_in_dim3A_86 : vector<1x64xf32> to vector<1024x64xf32>
    %add3A_88 = arith.addf %mul3A_83, %add3A_87 : vector<1024x64xf32>
    %get3A_89 = arith.constant 0 : index
    %get3A_90 = arith.constant 0 : index
    %get3A_91 = vector.load %arg10[%get3A_89, %get3A_90] : memref<1024x64xf32, #tpu.memory_space<vmem>>, vector<1024x64xf32>
    %mul3A_92 = arith.mulf %get3A_91, %get3A_91 : vector<1024x64xf32>
    %reduce_sum3A_93 = arith.constant dense<0.000000e+00> : vector<1024xf32>
    %reduce_sum3A_94 = vector.multi_reduction <add>, %mul3A_92, %reduce_sum3A_93 [1] : vector<1024x64xf32> to vector<1024xf32>
    %mul3A_95 = arith.mulf %add3A_88, %add3A_88 : vector<1024x64xf32>
    %reduce_sum3A_96 = arith.constant dense<0.000000e+00> : vector<1024xf32>
    %reduce_sum3A_97 = vector.multi_reduction <add>, %mul3A_95, %reduce_sum3A_96 [1] : vector<1024x64xf32> to vector<1024xf32>
    %broadcast_in_dim3A_98 = vector.shape_cast %reduce_sum3A_97 : vector<1024xf32> to vector<1024x1xf32>
    %broadcast_in_dim3A_99 = vector.shape_cast %reduce_sum3A_94 : vector<1024xf32> to vector<1x1024xf32>
    %add3A_100 = vector.broadcast %broadcast_in_dim3A_98 : vector<1024x1xf32> to vector<1024x1024xf32>
    %add3A_101 = vector.broadcast %broadcast_in_dim3A_99 : vector<1x1024xf32> to vector<1024x1024xf32>
    %add3A_102 = arith.addf %add3A_100, %add3A_101 : vector<1024x1024xf32>
    %add3A_103 = arith.addf %add3A_88, %add3A_88 : vector<1024x64xf32>
    %transpose3A = tpu.transpose %get3A_91, [1, 0] : vector<1024x64xf32> -> vector<64x1024xf32>
    %dot_general3A_104 = arith.constant dense<0.000000e+00> : vector<1024x1024xf32>
    %dot_general3A_105 = tpu.matmul %add3A_103, %transpose3A, %dot_general3A_104 {dimension_numbers = #tpu.dot_dimension_numbers<[1], [0], [0], [1], [0, 0, 1, 1], [], []>, transpose_lhs_hint = false} : vector<1024x64xf32>, vector<64x1024xf32>, vector<1024x1024xf32> -> vector<1024x1024xf32>
    %sub3A_106 = arith.subf %add3A_102, %dot_general3A_105 : vector<1024x1024xf32>
    %iota3A = tpu.iota {dimensions = array<i32: 1>} : vector<1x1024xi32>
    %convert_element_type3A = arith.sitofp %iota3A : vector<1x1024xi32> to vector<1x1024xf32>
    %reduce_min3A = arith.constant dense<0x7F800000> : vector<1024xf32>
    %reduce_min3A_107 = vector.multi_reduction <minimumf>, %sub3A_106, %reduce_min3A [1] : vector<1024x1024xf32> to vector<1024xf32>
    %broadcast_in_dim3A_108 = vector.shape_cast %reduce_min3A_107 : vector<1024xf32> to vector<1024x1xf32>
    %eq3A = vector.broadcast %broadcast_in_dim3A_108 : vector<1024x1xf32> to vector<1024x1024xf32>
    %eq3A_109 = arith.cmpf oeq, %sub3A_106, %eq3A : vector<1024x1024xf32>
    %jit3A = arith.constant 1.024000e+03 : f32
    %broadcast_in_dim3A_110 = vector.shape_cast %convert_element_type3A : vector<1x1024xf32> to vector<1x1024xf32>
    %broadcast_in_dim3A_111 = vector.broadcast %broadcast_in_dim3A_110 : vector<1x1024xf32> to vector<1024x1024xf32>
    %broadcast_in_dim3A_112 = vector.broadcast %jit3A : f32 to vector<1024x1024xf32>
    %select_n3A = arith.select %eq3A_109, %broadcast_in_dim3A_111, %broadcast_in_dim3A_112 : vector<1024x1024xi1>, vector<1024x1024xf32>
    %reduce_min3A_113 = arith.constant dense<0x7F800000> : vector<1024xf32>
    %reduce_min3A_114 = vector.multi_reduction <minimumf>, %select_n3A, %reduce_min3A_113 [1] : vector<1024x1024xf32> to vector<1024xf32>
    %convert_element_type3A_115 = arith.fptosi %reduce_min3A_114 : vector<1024xf32> to vector<1024xi32>
    %swap3A = arith.constant 0 : index
    %swap3A_116 = vector.load %arg11[%swap3A] : memref<1024xi32, #tpu.memory_space<vmem>>, vector<1024xi32>
    tpu.vector_store %arg11[%swap3A], %convert_element_type3A_115 {strides = array<i32>} : memref<1024xi32, #tpu.memory_space<vmem>>, vector<1024xi32>,
    %reduce_sum3A_117 = vector.shape_cast %broadcast_in_dim3A_108 : vector<1024x1xf32> to vector<1x1024x1xf32>
    %reduce_sum3A_118 = arith.constant dense<0.000000e+00> : vector<1xf32>
    %reduce_sum3A_119 = vector.multi_reduction <add>, %reduce_sum3A_117, %reduce_sum3A_118 [1, 2] : vector<1x1024x1xf32> to vector<1xf32>
    %reduce_sum3A_120 = vector.shape_cast %reduce_sum3A_119 : vector<1xf32> to vector<1x1x1xf32>
    %reduce_sum3A_121 = vector.extract %reduce_sum3A_120[0, 0, 0] : f32 from vector<1x1x1xf32>
    %reshape3A = vector.broadcast %reduce_sum3A_121 : f32 to vector<1x1xf32>
    %eq3A_122 = arith.constant 0 : i32
    %eq3A_123 = arith.cmpi eq, %arg0, %eq3A_122 : i32
    %convert_element_type3A_124 = arith.extui %eq3A_123 : i1 to i32
    %cond3A = arith.constant 0 : i32
    %cond3A_125 = arith.cmpi ne, %convert_element_type3A_124, %cond3A : i32
    scf.if %cond3A_125 {
      %broadcast_in_dim3A_133 = arith.constant 0.000000e+00 : f32
      %broadcast_in_dim3A_134 = vector.broadcast %broadcast_in_dim3A_133 : f32 to vector<1x1xf32>
      %swap3A_135 = arith.constant 0 : index
      %swap3A_136 = arith.constant 0 : index
      %swap3A_137 = vector.load %arg12[%swap3A_135, %swap3A_136] : memref<1x1xf32, #tpu.memory_space<vmem>>, vector<1x1xf32>
      tpu.vector_store %arg12[%swap3A_135, %swap3A_136], %broadcast_in_dim3A_134 {strides = array<i32>} : memref<1x1xf32, #tpu.memory_space<vmem>>, vector<1x1xf32>,
    } else {
    }
    %get3A_126 = arith.constant 0 : index
    %get3A_127 = arith.constant 0 : index
    %get3A_128 = vector.load %arg12[%get3A_126, %get3A_127] : memref<1x1xf32, #tpu.memory_space<vmem>>, vector<1x1xf32>
    %add3A_129 = arith.addf %get3A_128, %reshape3A : vector<1x1xf32>
    %swap3A_130 = arith.constant 0 : index
    %swap3A_131 = arith.constant 0 : index
    %swap3A_132 = vector.load %arg12[%swap3A_130, %swap3A_131] : memref<1x1xf32, #tpu.memory_space<vmem>>, vector<1x1xf32>
    tpu.vector_store %arg12[%swap3A_130, %swap3A_131], %add3A_129 {strides = array<i32>} : memref<1x1xf32, #tpu.memory_space<vmem>>, vector<1x1xf32>,
    return
  }
  func.func @transform_0(%arg0: i32) -> (i32, i32) {
    %add3A = arith.constant 0 : i32
    %add3A_0 = arith.addi %add3A, %arg0 : i32
    %c0_i32 = arith.constant 0 : i32
    %c0_i32_1 = arith.constant 0 : i32
    return %add3A_0, %c0_i32 : i32, i32
  }
  func.func @transform_1(%arg0: i32) -> (i32, i32) {
    %c0_i32 = arith.constant 0 : i32
    %c0_i32_0 = arith.constant 0 : i32
    %c0_i32_1 = arith.constant 0 : i32
    return %c0_i32, %c0_i32_0 : i32, i32
  }
  func.func @transform_2(%arg0: i32) -> i32 {
    %c0_i32 = arith.constant 0 : i32
    %c0_i32_0 = arith.constant 0 : i32
    return %c0_i32 : i32
  }
  func.func @transform_3(%arg0: i32) -> i32 {
    %c0_i32 = arith.constant 0 : i32
    %c0_i32_0 = arith.constant 0 : i32
    return %c0_i32 : i32
  }
  func.func @transform_4(%arg0: i32) -> i32 {
    %c0_i32 = arith.constant 0 : i32
    %c0_i32_0 = arith.constant 0 : i32
    return %c0_i32 : i32
  }
  func.func @transform_5(%arg0: i32) -> (i32, i32) {
    %c0_i32 = arith.constant 0 : i32
    %c0_i32_0 = arith.constant 0 : i32
    %c0_i32_1 = arith.constant 0 : i32
    return %c0_i32, %c0_i32_0 : i32, i32
  }
  func.func @transform_6(%arg0: i32) -> i32 {
    %c0_i32 = arith.constant 0 : i32
    %c0_i32_0 = arith.constant 0 : i32
    return %c0_i32 : i32
  }
  func.func @transform_7(%arg0: i32) -> i32 {
    %c0_i32 = arith.constant 0 : i32
    %c0_i32_0 = arith.constant 0 : i32
    return %c0_i32 : i32
  }
  func.func @transform_8(%arg0: i32) -> i32 {
    %c0_i32 = arith.constant 0 : i32
    %c0_i32_0 = arith.constant 0 : i32
    return %c0_i32 : i32
  }
  func.func @transform_9(%arg0: i32) -> (i32, i32) {
    %c0_i32 = arith.constant 0 : i32
    %c0_i32_0 = arith.constant 0 : i32
    %c0_i32_1 = arith.constant 0 : i32
    return %c0_i32, %c0_i32_0 : i32, i32
  }
  func.func @transform_10(%arg0: i32) -> i32 {
    %c0_i32 = arith.constant 0 : i32
    return %arg0 : i32
  }
  func.func @transform_11(%arg0: i32) -> (i32, i32) {
    %c0_i32 = arith.constant 0 : i32
    %c0_i32_0 = arith.constant 0 : i32
    %c0_i32_1 = arith.constant 0 : i32
    return %c0_i32, %c0_i32_0 : i32, i32
  }
}

</mosaic_0001>

<sc_bundles>
// kernel: kernel.5.cloned.1.call-start
scs
__scs_entry_jumppad:
0x0: {  	(pc) =	sbr.rel $0x88, $3  }
0x1: {  	(tag) =	ssettag $0x0;
	lr =	simm.s32 $0x1  }
0x2: {  	[smem:$0x3F97] =	sst lr;
	_ =	strace $0xD0000000  }
0x3: {  	_ = 	snop  }
0x4: {  	_ = 	snop  }
0x5: {  	_ = 	snop  }
0x6: {  	_ = 	snop  }
0x7: {  	_ = 	snop  }
__scs_overlays_trampoline_lowered:
0x8: {  	[smem:$0x3FA6] =	sst s0  }
0x9: {  	[smem:$0x3FA7] =	sst s1  }
0xa: {  	[smem:$0x3FA8] =	sst s2  }
0xb: {  	[smem:$0x3FA9] =	sst s3  }
0xc: {  	[smem:$0x3FAA] =	sst s4  }
0xd: {  	[smem:$0x3FAB] =	sst s5  }
0xe: {  	[smem:$0x3FAC] =	sst s6  }
0xf: {  	[smem:$0x3FAD] =	sst s7  }
0x10: {  	[smem:$0x3FAE] =	sst s8  }
0x11: {  	[smem:$0x3FAF] =	sst s9;
	s0 =	simm.s32 @!p0 $0x0  }
0x12: {  	s1 =	sld [smem:$0x3F95];
	s0 =	simm.s32 @p0 $0x1  }
0x13: {  	[smem:$0x3FB0] =	sst s0;
	s0 =	simm.s32 @!p1 $0x0  }
0x14: {  	s2 =	sld [smem:$0x3F94];
	s0 =	simm.s32 @p1 $0x1  }
0x15: {  	[smem:$0x3FB1] =	sst s0;
	s0 =	simm.s32 @!p2 $0x0  }
0x16: {  	s3 =	sld [smem:$0x3FDB];
	s0 =	simm.s32 @p2 $0x1  }
0x17: {  	s4 =	simm.s32 $0x1BF5;
	[smem:$0x3FB3] =	sst s0  }
0x18: {  	s0 =	sld [smem:$0x3F96];
	_ =	swait.ge [sflag:s4], $0x0  }
0x19: {  	s7 =	sld [smem:$0x3F97]  }
0x1a: {  	s8 =	sadd.s32 $0xFFFFE003, lr  }
0x1b: {  	s9 =	sadd.s32 $0xFFFFFEF7, lr;
	s5 =	simm.s32 $0xFFFFFFFF;
	p2 =	slt.u32 s8, $0xFFFFF086  }
0x1c: {  	p1 =	slt.u32 s9, $0xF7A;
	s5 =	simm.s32 @!p2 $0x0  }
0x1d: {  	s5 =	simm.s32 @p1 $0x1;
	p0 =	seq.s32 s7, s2  }
0x1e: {  	s7 =	smul.u32 @!p0 $0xF7A, s2;
	p2 =	seq.s32 @!p0 s5, $0x0  }
0x1f: {  	s9 =	smul.u32 $0xF7A, s1;
	s8 =	simm.s32 @!p0 $0x1BF5;
	p2 =	por !p2, p0  }
0x20: {  	[sflag:s8] =	ssyncset.s32 @!p0 $0xFFFFF086;
	s6 =	sadd.s32 @!p0 s3, s7;
	s7 =	simm.s32 @!p0 $0x108  }
0x21: {  	s3 =	sadd.s32 s3, s9;
	s6 =	sadd.s32 @!p0 $0x88, s6;
	s7 =	simm.s32 @p2 $0x1082  }
0x22: {  	[simem:s7], [sflag:s8] =	dma.local @!p0 [hbm:s6], $0xF7A  }
0x23: {  	s9 =	sor.u32 $0xD0000000, s2;
	s6 =	simm.s32 $0x108;
	_ =	swait.ge @!p0 [sflag:s8], $0x0  }
0x24: {  	s3 =	sadd.s32 $0x88, s3;
	s6 =	simm.s32 @!p1 $0x1082;
	[sflag:s4] =	ssyncset.s32 $0xFFFFF086  }
0x25: {  	[simem:s6], [sflag:s4] =	dma.local [hbm:s3], $0xF7A  }
0x26: {  	[smem:$0x3F97] =	sst s1;
	(tag) =	ssettag s2;
	_ =	strace s9  }
0x27: {  	s1 =	sld [smem:$0x3FA7]  }
0x28: {  	s2 =	sld [smem:$0x3FA8]  }
0x29: {  	s4 =	sld [smem:$0x3FAA]  }
0x2a: {  	p0 =	seq.s32 s5, $0x0;
	s5 =	sld [smem:$0x3FAB]  }
0x2b: {  	s6 =	sld [smem:$0x3FAC]  }
0x2c: {  	s7 =	sld [smem:$0x3FAD]  }
0x2d: {  	s3 =	simm.s32 $0x108;
	s8 =	sld [smem:$0x3FAE]  }
0x2e: {  	s3 =	simm.s32 @!p0 $0x1082;
	s9 =	sld [smem:$0x3FAF]  }
0x2f: {  	lr =	sadd.s32 s0, s3;
	s0 =	sld [smem:$0x3FA6]  }
0x30: {  	s3 =	sld [smem:$0x3FA9]  }
0x31: {  	[smem:$0x3FB2] =	sst s10  }
0x32: {  	s10 =	sld [smem:$0x3FB0];
	_ =	sdelay $0x3  }
0x33: {  	p0 =	seq.s32 s10, $0x1;
	s10 =	sld [smem:$0x3FB2];
	_ =	sdelay $0x3  }
0x34: {  	[smem:$0x3FB2] =	sst s10  }
0x35: {  	s10 =	sld [smem:$0x3FB1];
	_ =	sdelay $0x3  }
0x36: {  	p1 =	seq.s32 s10, $0x1;
	s10 =	sld [smem:$0x3FB2];
	_ =	sdelay $0x3  }
0x37: {  	[smem:$0x3FB2] =	sst s10  }
0x38: {  	s10 =	sld [smem:$0x3FB3]  }
0x39: {  	_ = 	snop;
	(pc) =	sbr.ind lr, $3  }
0x3a: {  	_ = 	snop  }
0x3b: {  	_ = 	snop  }
0x3c: {  	p2 =	seq.s32 s10, $0x1;
	s10 =	sld [smem:$0x3FB2]  }
0x3d: {  	_ =	shalt  }
0x3e: {  	_ =	shalt  }
0x3f: {  	_ =	shalt  }
0x40: {  	_ =	shalt  }
0x41: {  	_ =	shalt  }
0x42: {  	_ =	shalt  }
0x43: {  	_ =	shalt  }
0x44: {  	_ =	shalt  }
0x45: {  	_ =	shalt  }
0x46: {  	_ =	shalt  }
0x47: {  	_ =	shalt  }
0x48: {  	_ =	shalt  }
0x49: {  	_ =	shalt  }
0x4a: {  	_ =	shalt  }
0x4b: {  	_ =	shalt  }
0x4c: {  	_ =	shalt  }
0x4d: {  	_ =	shalt  }
0x4e: {  	_ =	shalt  }
0x4f: {  	_ =	shalt  }
0x50: {  	_ =	shalt  }
0x51: {  	_ =	shalt  }
0x52: {  	_ =	shalt  }
0x53: {  	_ =	shalt  }
0x54: {  	_ =	shalt  }
0x55: {  	_ =	shalt  }
0x56: {  	_ =	shalt  }
0x57: {  	_ =	shalt  }
0x58: {  	_ =	shalt  }
0x59: {  	_ =	shalt  }
0x5a: {  	_ =	shalt  }
0x5b: {  	_ =	shalt  }
0x5c: {  	_ =	shalt  }
0x5d: {  	_ =	shalt  }
0x5e: {  	_ =	shalt  }
0x5f: {  	_ =	shalt  }
0x60: {  	_ =	shalt  }
0x61: {  	_ =	shalt  }
0x62: {  	_ =	shalt  }
0x63: {  	_ =	shalt  }
0x64: {  	_ =	shalt  }
0x65: {  	_ =	shalt  }
0x66: {  	_ =	shalt  }
0x67: {  	_ =	shalt  }
0x68: {  	_ =	shalt  }
0x69: {  	_ =	shalt  }
0x6a: {  	_ =	shalt  }
0x6b: {  	_ =	shalt  }
0x6c: {  	_ =	shalt  }
0x6d: {  	_ =	shalt  }
0x6e: {  	_ =	shalt  }
0x6f: {  	_ =	shalt  }
0x70: {  	_ =	shalt  }
0x71: {  	_ =	shalt  }
0x72: {  	_ =	shalt  }
0x73: {  	_ =	shalt  }
0x74: {  	_ =	shalt  }
0x75: {  	_ =	shalt  }
0x76: {  	_ =	shalt  }
0x77: {  	_ =	shalt  }
0x78: {  	_ =	shalt  }
0x79: {  	_ =	shalt  }
0x7a: {  	_ =	shalt  }
0x7b: {  	_ =	shalt  }
0x7c: {  	_ =	shalt  }
0x7d: {  	_ =	shalt  }
0x7e: {  	_ =	shalt  }
0x7f: {  	_ =	shalt  }
0x80: {  	_ =	shalt  }
0x81: {  	_ =	shalt  }
0x82: {  	_ =	shalt  }
0x83: {  	_ =	shalt  }
0x84: {  	_ =	shalt  }
0x85: {  	_ =	shalt  }
0x86: {  	_ =	shalt  }
0x87: {  	_ =	shalt  }
.Lfunc_end0:
.L_simem_size_0:
called_computation_lowered:
.L_overlay_start_0:
0x88: {  	s2 =	sld [smem:$0x3FD9]  }
0x89: {  	s3 =	sld [smem:$0x3FFE];
	_ =	sdelay $0x1  }
0x8a: {  	s1 =	srdreg.scid  }
0x8b: {  	s0 =	sand.u32 $0x1, s1  }
0x8c: {  	s14 =	sshll.u32 s0, $0xA;
	s2 =	sadd.s32 s3, s2  }
0x8d: {  	s2 =	sadd.s32 s2, s14  }
0x8e: {  	[smem:$0x3FBE] =	sst s2  }
0x8f: {  	_ = 	snop  }
0x90: {  	s2 =	sld [smem:$0x3FD0];
	_ =	sdelay $0x2  }
0x91: {  	s15 =	simm.s32 $0xA;
	s4 =	simm.s32 $0x10  }
0x92: {  	[smem:s4], [sflag:s15] =	dma.local [hbm:s2], $0x1  }
0x93: {  	_ =	swait.eq [sflag:s15], $0x1  }
0x94: {  	[sflag:s15] =	ssyncset.done $0x0  }
0x95: {  	[sflag:s15] =	ssyncadd.s32 $0xFFFFFFFF  }
0x96: {  	s16 =	sld [smem:$0x10];
	(tm) =	ssettm $0x1  }
0x97: {  	s17 =	sld [smem:$0x3FFB];
	_ =	sdelay $0x3  }
0x98: {  	_ =	strace s17  }
0x99: {  	s3 =	sld [smem:$0x3FFC];
	_ =	sdelay $0x3  }
0x9a: {  	_ =	strace s3  }
0x9b: {  	s3 =	sld [smem:$0x3FFD];
	_ =	sdelay $0x3  }
0x9c: {  	_ =	strace s3  }
0x9d: {  	_ =	strace $0x8FFFFFFF  }
0x9e: {  	s18 =	sld [smem:$0x3FDB];
	_ =	sdelay $0x1  }
0x9f: {  	s19 =	simm.s32 $_scs_section_size  }
0xa0: {  	s5 =	simm.s32 $_size__tile_overlayer_lowered;
	s6 =	simm.s32 $_tile_overlayer_lowered  }
0xa1: {  	s22 =	simm.s32 $0x1BFF;
	s21 =	sshll.u32 s6, $0x1;
	s3 =	sadd.s32 s19, s18  }
0xa2: {  	s7 =	simm.s32 $0x0;
	s20 =	sshll.u32 s5, $0x1;
	s5 =	sadd.s32 s21, s3  }
0xa3: {  	[timem:s7], [sflag:s22] =	dma.local [hbm:s5], s20  }
0xa4: {  	_ =	swait.ge [sflag:s22], s20  }
0xa5: {  	s4 =	ssub.s32 $0x0, s20;
	[sflag:s22] =	ssyncset.done $0x0  }
0xa6: {  	[sflag:s22] =	ssyncadd.s32 s4;
	_ =	sdelay $0x1  }
0xa7: {  	s23 =	simm.s32 $0x1B8B  }
0xa8: {  	_ =	swait.ge [sflag:s23], $0x1  }
0xa9: {  	[sflag:s23] =	ssyncset.done $0x0  }
0xaa: {  	s25 =	simm.s32 $0x1B8E;
	s24 =	sld [smem:$0x3FFE];
	[sflag:s23] =	ssyncadd.s32 $0xFFFFFFFF  }
0xab: {  	s26 =	simm.s32 $execute0_lowered;
	[smem:$0x3FD2] =	sst s25  }
0xac: {  	s5 =	sshll.u32 s26, $0x1;
	_ =	strace $0x80000046;
	[dreg:$0x1] =	wrdreg $0xFFFFFFFF  }
0xad: {  	s28 =	simm.s32 $_size_execute0_lowered;
	s3 =	sadd.s32 s3, s5;
	[dreg:$0x0] =	wrdreg $0x0  }
0xae: {  	s5 =	sshll.u32 s28, $0x1;
	[dreg:$0x2] =	wrdreg s3  }
0xaf: {  	[dreg:$0x3] =	wrdreg s5  }
0xb0: {  	[dreg:$0x4] =	wrdreg $0xC0  }
0xb1: {  	_ =	task [dreg:s7], $0x5FFFF  }
0xb2: {  	[dreg:$0x1] =	wrdreg $0xFFFFFFFF  }
0xb3: {  	[dreg:$0x0] =	wrdreg $0x60  }
0xb4: {  	[dreg:$0x2] =	wrdreg s24  }
0xb5: {  	[dreg:$0x3] =	wrdreg s16  }
0xb6: {  	[dreg:$0x4] =	wrdreg $0x9  }
0xb7: {  	_ =	task.clear_ibuf [dreg:s7], $0x5FFFF;
	_ =	strace $0x90000046  }
0xb8: {  	s29 =	simm.s32 $0x9;
	_ =	strace $0x80000048  }
0xb9: {  	_ =	swait.ge [sflag:s29], $0x1  }
0xba: {  	[sflag:s29] =	ssyncadd.s32 $0xFFFFFFFF  }
0xbb: {  	_ =	strace $0x90000048  }
0xbc: {  	_ =	sfence  }
0xbd: {  	s30 =	sld [smem:$0x0];
	_ =	sdelay $0x2  }
0xbe: {  	s31 =	sshll.u32 s1, $0xD;
	s1 =	sshrl.u32 s1, $0x2  }
0xbf: {  	s3 =	sand.u32 $0x4000, s31;
	s1 =	sadd.s32 s1, s30  }
0xc0: {  	s0 =	sor.u32 s3, s0;
	s1 =	sshll.u32 s1, $0x11  }
0xc1: {  	s0 =	sor.u32 s1, s0  }
0xc2: {  	s0 =	sadd.s32 $0x8F2B, s0  }
0xc3: {  	[sflag:s0] =	ssyncadd.remote.s32 $0x1  }
0xc4: {  	_ =	sfence.sel $0xFFFF  }
0xc5: {  	[dreg:$0x0] =	wrdreg $0xFFFFFFFF;
	(pc) =	sbr.abs _section_cstart, $3  }
0xc6: {  	[dreg:$0x1] =	wrdreg $0xFFFFFFFF  }
0xc7: {  	_ =	task.clear_ibuf [dreg:s7], $0x2FFFF;
	_ =	strace $0x9FFFFFFF  }
0xc8: {  	(tm) =	ssettm $0x7FFFFFFF  }
0xc9: {  	_ =	shalt  }
tec
execute0_lowered:
.L_overlay_start_1:
0x0: {  	(tag) =	ssettag $0x1  }
0x1: {  	s1 =	srdreg.scid  }
0x2: {  	s0 =	stileid.u32;
	s6 =	sand.u32 $0x1, s1  }
0x3: {  	s5 =	rddreg [dreg:$0x0];
	s30 =	sshll.u32 s0, $0x9;
	s2 =	sshll.u32 s6, $0x8  }
0x4: {  	s8 =	rddreg [dreg:$0x1];
	s9 =	sor.u32 s2, s30  }
0x5: {  	s1 =	rddreg [dreg:$0x2];
	s2 =	simm.s32 $0x0;
	s3 =	sshrl.u32 s9, $0x3  }
0x6: {  	s10 =	ssub.s32 $0x2, s6;
	[smem:$0x7FF] =	sst s2;
	s3 =	sadd.s32 s3, s5  }
0x7: {  	_ =	strace $0x80000047;
	s4 =	sadd.s32 $0x6600, s3;
	s3 =	simm.s32 $0x2  }
0x8: {  	[tilespmem:s2], [sflag:$0x2] =	stream.linear.gather [hbm4b:s4+s2], $0x100, $0x38;
	[tilespmem:$0x8100] =	vst v63  }
0x9: {  	s7 =	simm.s32 $0x1;
	s11 =	sshrl.u32 s10, $0x1;
	_ =	swait.ge [sflag:s3], $0x100  }
0xa: {  	s6 =	simm.s32 $0x100;
	s10 =	ssub.s32 s10, s11;
	[sflag:s3] =	ssyncset.done $0x0  }
0xb: {  	s5 =	sadd.s32 $0x2400, s5;
	s31 =	smax.u32 s10, $0x1;
	[sflag:s3] =	ssyncadd.s32 $0xFFFFFF00  }
0xc: {  	[tilespmem:s6], [sflag:$0x1] =	stream.indirect.gather [hbm4b:s5+s6], $0x80, s2, s6, $0xb8;
	[tilespmem:$0x8100] =	vst v63  }
0xd: {  	p0 =	sne.s32 s31, $0x1;
	_ =	swait.ge [sflag:s7], $0x8000  }
.Ltmp0:
0xe: {  	s9 =	sshll.u32 s9, $0x4;
	[sflag:s7] =	ssyncset.done $0x0;
	(pc) =	sbr.rel @!p0 .LBB2_2-.Ltmp0, $4  }
0xf: {  	s8 =	sadd.s32 s8, s9;
	[sflag:s7] =	ssyncadd.s32 $0xFFFF8000  }
0x10: {  	[hbm4b:s8+s2] =	stream.linear.scatter [tilespmem:s6], [sflag:$0x2], $0x8000, $0x38;
	[tilespmem:$0x8100] =	vst v63  }
0x11: {  	_ =	swait.ge [sflag:s3], $0x8000  }
0x12: {  	s9 =	sadd.s32 $0xFFFFFFFF, s31;
	[sflag:s3] =	ssyncset.done $0x0  }
.LBB2_1:
0x13: {  	p0 =	sne.s32 s9, $0x1;
	s9 =	sadd.s32 $0xFFFFFFFF, s9;
	[sflag:s3] =	ssyncadd.s32 $0xFFFF8000  }
0x14: {  	[tilespmem:s2], [sflag:$0x2] =	stream.linear.gather [hbm4b:s4+s2], $0x100, $0x38;
	[tilespmem:$0x8100] =	vst v63  }
0x15: {  	_ =	swait.ge [sflag:s3], $0x100  }
0x16: {  	[sflag:s3] =	ssyncset.done $0x0  }
0x17: {  	[sflag:s3] =	ssyncadd.s32 $0xFFFFFF00  }
0x18: {  	[tilespmem:s6], [sflag:$0x1] =	stream.indirect.gather [hbm4b:s5+s6], $0x80, s2, s6, $0xb8;
	[tilespmem:$0x8100] =	vst v63  }
0x19: {  	_ =	swait.ge [sflag:s7], $0x8000  }
.Ltmp1:
0x1a: {  	[sflag:s7] =	ssyncset.done $0x0;
	(pc) =	sbr.rel @p0 .LBB2_1-.Ltmp1, $4  }
0x1b: {  	[sflag:s7] =	ssyncadd.s32 $0xFFFF8000  }
0x1c: {  	[hbm4b:s8+s2] =	stream.linear.scatter [tilespmem:s6], [sflag:$0x2], $0x8000, $0x38;
	[tilespmem:$0x8100] =	vst v63  }
0x1d: {  	_ =	swait.ge [sflag:s3], $0x8000  }
0x1e: {  	[sflag:s3] =	ssyncset.done $0x0  }
.LBB2_2:
0x1f: {  	[sflag:s3] =	ssyncadd.s32 $0xFFFF8000  }
0x20: {  	_ =	sfence.sel $0x180000  }
0x21: {  	[bflag:$0x0] =	sbarrier.arrive $0xFFFF  }
0x22: {  	p0 =	sne.s32 s0, $0x0;
	_ =	strace $0x90000047  }
0x23: {  	s0 =	sadd.s32 @!p0 $0x100000, s1;
	[bflag:$0x2] =	sbarrier.arrive $0xFFFF  }
0x24: {  	[sflag:s0] =	ssyncadd.tile.s32 @!p0 $0x1;
	_ =	shalt  }
.Lfunc_end2:
_tile_overlayer_lowered:
.L_overlay_start_2:
0x25: {  	(tag) =	ssettag $0x2  }
0x26: {  	s0 =	rddreg [dreg:$0x0];
	s2 =	stileid.u32  }
0x27: {  	s1 =	rddreg [dreg:$0x1];
	p0 =	sne.s32 s2, $0x0  }
0x28: {  	s3 =	rddreg [dreg:$0x2];
	[bflag:$0x3] =	sbarrier.arrive $0xFFFF;
	s2 =	simm.s32 @!p0 $0x1C02  }
0x29: {  	[timem:s3], [sflag:s2] =	dma.local @!p0 [hbm:s0], s1  }
0x2a: {  	s0 =	simm.s32 @!p0 $0x2  }
0x2b: {  	_ =	swait.ge @!p0 [sflag:s0], s1  }
0x2c: {  	s1 =	ssub.s32 @!p0 $0x0, s1;
	[sflag:s0] =	ssyncset.done @!p0 $0x0  }
0x2d: {  	[sflag:s0] =	ssyncadd.s32 @!p0 s1  }
0x2e: {  	[bflag:$0x3] =	sbarrier.arrive $0xFFFF  }
0x2f: {  	_ =	shalt  }

</sc_bundles>
